<compile_context>
chip_gen: v7x
topology: tpu7x:2x2x1
jax: 0.10.2.dev20260603
libtpu: 0.0.44.dev20260713+nightly
codegen_flags: <defaults>
</compile_context>

<pallas_src>
import jax
import jax.numpy as jnp
from jax import lax
from jax.experimental import pallas as pl
from jax.experimental.pallas import tpu as pltpu
from jax.experimental.pallas import tpu_sc as plsc

_NC = 2
_NS = 16
_NW = _NC * _NS

_CHUNK = 128
_H1 = 128


def _tx_body(tab_ref, w_ref, o_ref):
    o_ref[...] = jnp.dot(tab_ref[...], w_ref[...],
                         preferred_element_type=jnp.float32)


def _tx(tab, w, blk):
    V, E = tab.shape
    H = w.shape[1]
    return pl.pallas_call(
        _tx_body,
        grid=(pl.cdiv(V, blk),),
        in_specs=[pl.BlockSpec((blk, E), lambda i: (i, 0)),
                  pl.BlockSpec((E, H), lambda i: (0, 0))],
        out_specs=pl.BlockSpec((blk, H), lambda i: (i, 0)),
        out_shape=jax.ShapeDtypeStruct((V, H), jnp.float32),
    )(tab, w)


def _gather_body(users_hbm, animes_hbm, uidx_hbm, aidx_hbm, u_out, a_out,
                 idx_v, rows, sem):
    nch = idx_v.shape[1]
    bpw = nch * _CHUNK
    wid = lax.axis_index("s") * _NC + lax.axis_index("c")
    base = wid * bpw
    pltpu.sync_copy(uidx_hbm.at[pl.ds(wid * nch, nch)], idx_v.at[0])
    pltpu.sync_copy(aidx_hbm.at[pl.ds(wid * nch, nch)], idx_v.at[1])
    cus = [pltpu.async_copy(users_hbm.at[idx_v.at[0, j]],
                            rows.at[pl.ds(j * _CHUNK, _CHUNK)], sem)
           for j in range(nch)]
    for c in cus:
        c.wait()
    pltpu.sync_copy(rows, u_out.at[pl.ds(base, bpw)])
    cas = [pltpu.async_copy(animes_hbm.at[idx_v.at[1, j]],
                            rows.at[pl.ds(j * _CHUNK, _CHUNK)], sem)
           for j in range(nch)]
    for c in cas:
        c.wait()
    pltpu.sync_copy(rows, a_out.at[pl.ds(base, bpw)])


def _sc_gather(users_t, animes_t, uidx, aidx):
    B = uidx.shape[0]
    bpw = B // _NW
    nch = bpw // _CHUNK
    mesh = plsc.VectorSubcoreMesh(core_axis_name="c", subcore_axis_name="s")
    return pl.kernel(
        _gather_body,
        out_type=(jax.ShapeDtypeStruct((B, _H1), jnp.float32),
                  jax.ShapeDtypeStruct((B, _H1), jnp.float32)),
        mesh=mesh,
        scratch_types=[
            pltpu.VMEM((2, nch, _CHUNK), jnp.int32),
            pltpu.VMEM((bpw, _H1), jnp.float32),
            pltpu.SemaphoreType.DMA,
        ],
    )(users_t, animes_t, uidx.reshape(B // _CHUNK, _CHUNK),
      aidx.reshape(B // _CHUNK, _CHUNK))


def _mlp_body(u_ref, a_ref, x_ref, w1x_ref, b1_ref,
              w2_ref, b2_ref, w3_ref, b3_ref, o_ref):
    h = u_ref[...] + a_ref[...] + b1_ref[...]
    h = h + jnp.dot(x_ref[...], w1x_ref[...], preferred_element_type=jnp.float32)
    h = jnp.maximum(h, 0.0)
    h = jnp.dot(h, w2_ref[...], preferred_element_type=jnp.float32)
    h = jnp.maximum(h + b2_ref[...], 0.0)
    o = jnp.dot(h, w3_ref[...], preferred_element_type=jnp.float32)
    o_ref[...] = jax.nn.sigmoid(o + b3_ref[...])


def _tc_mlp(u, a, x, w1x, b1, w2, b2, w3, b3, blk):
    B = u.shape[0]
    F = x.shape[1]
    H2 = w2.shape[1]
    row = lambda i: (i, 0)
    fixed = lambda i: (0, 0)
    return pl.pallas_call(
        _mlp_body,
        grid=(B // blk,),
        in_specs=[
            pl.BlockSpec((blk, _H1), row),
            pl.BlockSpec((blk, _H1), row),
            pl.BlockSpec((blk, F), row),
            pl.BlockSpec((F, _H1), fixed),
            pl.BlockSpec((1, _H1), fixed),
            pl.BlockSpec((_H1, H2), fixed),
            pl.BlockSpec((1, H2), fixed),
            pl.BlockSpec((H2, 1), fixed),
            pl.BlockSpec((1, 1), fixed),
        ],
        out_specs=pl.BlockSpec((blk, 1), row),
        out_shape=jax.ShapeDtypeStruct((B, 1), jnp.float32),
    )(u, a, x, w1x, b1, w2, b2, w3, b3)


def kernel(x, users, animes, W1, b1, W2, b2, W3, b3):
    E = users.shape[1]
    H1 = W1.shape[0]
    uidx = x[:, 0].astype(jnp.int32)
    aidx = x[:, 1].astype(jnp.int32)

    w1t = W1.T
    users_t = _tx(users, w1t[:E], blk=2048)
    animes_t = _tx(animes, w1t[E:2 * E], blk=2048)
    u, a = _sc_gather(users_t, animes_t, uidx, aidx)

    w1x = jnp.concatenate([jnp.zeros((2, H1), jnp.float32), w1t[2 * E:]], axis=0)
    return _tc_mlp(u, a, x, w1x, b1.reshape(1, -1),
                   W2.T, b2.reshape(1, -1), W3.T, b3.reshape(1, -1), blk=2048)

# --- scband reference (transcript-rebuilt; emitter-appended) ---
"""Pipeline reference for scband-recommendation-net-16484084482565 (READ-ONLY COPY).

The authoritative reference and input builder live on the scoring server;
editing this copy changes nothing except your own understanding.
"""

import jax, jax.numpy as jnp
import numpy as np

N_USERS = 73517
N_ANIMES = 12294
EMB = 100
B = 16384
N_FEAT = 54

def setup_inputs(seed: int = 0) -> dict:
    key = jax.random.key(seed)
    ku, ka, kf, k1, k2, k3, kt1, kt2 = jax.random.split(key, 8)
    user_idx = jax.random.randint(ku, (B,), 0, N_USERS).astype(jnp.float32)
    anime_idx = jax.random.randint(ka, (B,), 0, N_ANIMES).astype(jnp.float32)
    feats = jax.random.normal(kf, (B, N_FEAT), dtype=jnp.float32)
    x = jnp.concatenate([user_idx[:, None], anime_idx[:, None], feats], axis=1)
    users = jax.random.normal(kt1, (N_USERS, EMB), dtype=jnp.float32) * 0.02
    animes = jax.random.normal(kt2, (N_ANIMES, EMB), dtype=jnp.float32) * 0.02
    d_in = EMB + EMB + N_FEAT  # 254? no: 100+100+54 = 254... careful: 254
    W1 = jax.random.normal(k1, (128, d_in), dtype=jnp.float32) * (1.0 / np.sqrt(d_in))
    b1 = jnp.zeros((128,), dtype=jnp.float32)
    W2 = jax.random.normal(k2, (32, 128), dtype=jnp.float32) * (1.0 / np.sqrt(128))
    b2 = jnp.zeros((32,), dtype=jnp.float32)
    W3 = jax.random.normal(k3, (1, 32), dtype=jnp.float32) * (1.0 / np.sqrt(32))
    b3 = jnp.zeros((1,), dtype=jnp.float32)
    return {"x": x, "users": users, "animes": animes, "W1": W1, "b1": b1, "W2": W2, "b2": b2, "W3": W3, "b3": b3}

def reference(x, users, animes, W1, b1, W2, b2, W3, b3):
    user = x[:, 0].astype(jnp.int32)
    anime = x[:, 1].astype(jnp.int32)
    otherfeatures = x[:, 2:]
    userVector = jnp.take(users, user, axis=0)
    animeVector = jnp.take(animes, anime, axis=0)
    layer1 = jnp.concatenate([userVector, animeVector, otherfeatures], axis=1)
    layer2 = jax.nn.relu(layer1 @ W1.T + b1)
    layer3 = jax.nn.relu(layer2 @ W2.T + b2)
    out = jax.nn.sigmoid(layer3 @ W3.T + b3)
    return out

if __name__ == "__main__":
    import jax
    _d = setup_inputs()
    print(jax.jit(kernel)(*tuple(_d.values())))

</pallas_src>

<mosaic_0001>
#map = affine_map<(d0, d1) -> (0, 0)>
module attributes {stable_mosaic.version = 14 : i64} {
  func.func @_gather_body(%arg0: i32, %arg1: i32, %arg2: memref<73517x128xf32, #tpu.memory_space<hbm>>, %arg3: memref<12294x128xf32, #tpu.memory_space<hbm>>, %arg4: memref<128x128xi32, #tpu.memory_space<hbm>>, %arg5: memref<128x128xi32, #tpu.memory_space<hbm>>, %arg6: memref<16384x128xf32, #tpu.memory_space<hbm>>, %arg7: memref<16384x128xf32, #tpu.memory_space<hbm>>, %arg8: memref<2x4x128xi32, #tpu.memory_space<vmem>>, %arg9: memref<512x128xf32, #tpu.memory_space<vmem>>, %arg10: memref<!tpu.dma_semaphore, #tpu.memory_space<semaphore_mem>>) attributes {dimension_semantics = [#tpu.dimension_semantics<core_parallel>, #tpu.dimension_semantics<subcore_parallel>], iteration_bounds = array<i64: 2, 16>, scalar_prefetch = 0 : i64, scratch_operands = 3 : i64, tpu.core_type = #tpu.core_type<sc_vector_subcore>, window_params = [{transform_indices = #map}, {transform_indices = #map}, {transform_indices = #map}, {transform_indices = #map}, {transform_indices = #map}, {transform_indices = #map}]} {
    %mul3A = arith.constant 2 : i32
    %mul3A_0 = arith.muli %arg1, %mul3A : i32
    %add3A = arith.addi %mul3A_0, %arg0 : i32
    %mul3A_1 = arith.constant 512 : i32
    %mul3A_2 = arith.muli %add3A, %mul3A_1 : i32
    %mul3A_3 = arith.constant 4 : i32
    %mul3A_4 = arith.muli %add3A, %mul3A_3 : i32
    %run_scoped3A = arith.constant 0 : i32
    "tpu.region"() ({
      %run_scoped3A_182 = tpu.sem_alloc : memref<!tpu.dma_semaphore, #tpu.memory_space<semaphore_mem>>
      %dma_start3A_183 = arith.constant 0 : i32
      %dma_start3A_184 = arith.constant 0 : i32
      %dma_start3A_185 = tpu.memref_slice %arg8[%run_scoped3A, %dma_start3A_183, %dma_start3A_184] : memref<2x4x128xi32, #tpu.memory_space<vmem>> -> memref<1x4x128xi32, #tpu.memory_space<vmem>>
      %dma_start3A_186 = tpu.memref_squeeze %dma_start3A_185 : memref<1x4x128xi32, #tpu.memory_space<vmem>> -> memref<4x128xi32, #tpu.memory_space<vmem>>
      %dma_start3A_187 = arith.constant 0 : i32
      %dma_start3A_188 = tpu.memref_slice %arg4[%mul3A_4, %dma_start3A_187] : memref<128x128xi32, #tpu.memory_space<hbm>> -> memref<4x128xi32, #tpu.memory_space<hbm>>
      %dma_start3A_189 = arith.constant 0 : i32
      %dma_start3A_190 = arith.constant 0 : i32
      %dma_start3A_191 = tpu.memref_slice %arg8[%run_scoped3A, %dma_start3A_189, %dma_start3A_190] : memref<2x4x128xi32, #tpu.memory_space<vmem>> -> memref<1x4x128xi32, #tpu.memory_space<vmem>>
      %dma_start3A_192 = tpu.memref_squeeze %dma_start3A_191 : memref<1x4x128xi32, #tpu.memory_space<vmem>> -> memref<4x128xi32, #tpu.memory_space<vmem>>
      %dma_start3A_193 = arith.constant 0 : i32
      %dma_start3A_194 = tpu.memref_slice %arg4[%mul3A_4, %dma_start3A_193] : memref<128x128xi32, #tpu.memory_space<hbm>> -> memref<4x128xi32, #tpu.memory_space<hbm>>
      tpu.enqueue_dma source(%dma_start3A_194 : memref<4x128xi32, #tpu.memory_space<hbm>>) target(%dma_start3A_192 : memref<4x128xi32, #tpu.memory_space<vmem>>) target_semaphore(%run_scoped3A_182 : memref<!tpu.dma_semaphore, #tpu.memory_space<semaphore_mem>>)
      %dma_wait3A_195 = arith.constant 0 : i32
      %dma_wait3A_196 = arith.constant 0 : i32
      %dma_wait3A_197 = tpu.memref_slice %arg8[%run_scoped3A, %dma_wait3A_195, %dma_wait3A_196] : memref<2x4x128xi32, #tpu.memory_space<vmem>> -> memref<1x4x128xi32, #tpu.memory_space<vmem>>
      %dma_wait3A_198 = tpu.memref_squeeze %dma_wait3A_197 : memref<1x4x128xi32, #tpu.memory_space<vmem>> -> memref<4x128xi32, #tpu.memory_space<vmem>>
      %dma_wait3A_199 = arith.constant 0 : i32
      %dma_wait3A_200 = tpu.memref_slice %arg4[%mul3A_4, %dma_wait3A_199] : memref<128x128xi32, #tpu.memory_space<hbm>> -> memref<4x128xi32, #tpu.memory_space<hbm>>
      %dma_wait3A_201 = arith.constant 0 : i32
      %dma_wait3A_202 = arith.constant 0 : i32
      %dma_wait3A_203 = tpu.memref_slice %arg8[%run_scoped3A, %dma_wait3A_201, %dma_wait3A_202] : memref<2x4x128xi32, #tpu.memory_space<vmem>> -> memref<1x4x128xi32, #tpu.memory_space<vmem>>
      %dma_wait3A_204 = tpu.memref_squeeze %dma_wait3A_203 : memref<1x4x128xi32, #tpu.memory_space<vmem>> -> memref<4x128xi32, #tpu.memory_space<vmem>>
      %dma_wait3A_205 = arith.constant 0 : i32
      %dma_wait3A_206 = tpu.memref_slice %arg4[%mul3A_4, %dma_wait3A_205] : memref<128x128xi32, #tpu.memory_space<hbm>> -> memref<4x128xi32, #tpu.memory_space<hbm>>
      tpu.wait_dma2 semaphore(%run_scoped3A_182 : memref<!tpu.dma_semaphore, #tpu.memory_space<semaphore_mem>>) src(%dma_wait3A_206 : memref<4x128xi32, #tpu.memory_space<hbm>>) dst(%dma_wait3A_204 : memref<4x128xi32, #tpu.memory_space<vmem>>)
      tpu.yield
    }) : () -> ()
    %mul3A_5 = arith.constant 4 : i32
    %mul3A_6 = arith.muli %add3A, %mul3A_5 : i32
    %run_scoped3A_7 = arith.constant 1 : i32
    "tpu.region"() ({
      %run_scoped3A_182 = tpu.sem_alloc : memref<!tpu.dma_semaphore, #tpu.memory_space<semaphore_mem>>
      %dma_start3A_183 = arith.constant 0 : i32
      %dma_start3A_184 = arith.constant 0 : i32
      %dma_start3A_185 = tpu.memref_slice %arg8[%run_scoped3A_7, %dma_start3A_183, %dma_start3A_184] : memref<2x4x128xi32, #tpu.memory_space<vmem>> -> memref<1x4x128xi32, #tpu.memory_space<vmem>>
      %dma_start3A_186 = tpu.memref_squeeze %dma_start3A_185 : memref<1x4x128xi32, #tpu.memory_space<vmem>> -> memref<4x128xi32, #tpu.memory_space<vmem>>
      %dma_start3A_187 = arith.constant 0 : i32
      %dma_start3A_188 = tpu.memref_slice %arg5[%mul3A_6, %dma_start3A_187] : memref<128x128xi32, #tpu.memory_space<hbm>> -> memref<4x128xi32, #tpu.memory_space<hbm>>
      %dma_start3A_189 = arith.constant 0 : i32
      %dma_start3A_190 = arith.constant 0 : i32
      %dma_start3A_191 = tpu.memref_slice %arg8[%run_scoped3A_7, %dma_start3A_189, %dma_start3A_190] : memref<2x4x128xi32, #tpu.memory_space<vmem>> -> memref<1x4x128xi32, #tpu.memory_space<vmem>>
      %dma_start3A_192 = tpu.memref_squeeze %dma_start3A_191 : memref<1x4x128xi32, #tpu.memory_space<vmem>> -> memref<4x128xi32, #tpu.memory_space<vmem>>
      %dma_start3A_193 = arith.constant 0 : i32
      %dma_start3A_194 = tpu.memref_slice %arg5[%mul3A_6, %dma_start3A_193] : memref<128x128xi32, #tpu.memory_space<hbm>> -> memref<4x128xi32, #tpu.memory_space<hbm>>
      tpu.enqueue_dma source(%dma_start3A_194 : memref<4x128xi32, #tpu.memory_space<hbm>>) target(%dma_start3A_192 : memref<4x128xi32, #tpu.memory_space<vmem>>) target_semaphore(%run_scoped3A_182 : memref<!tpu.dma_semaphore, #tpu.memory_space<semaphore_mem>>)
      %dma_wait3A_195 = arith.constant 0 : i32
      %dma_wait3A_196 = arith.constant 0 : i32
      %dma_wait3A_197 = tpu.memref_slice %arg8[%run_scoped3A_7, %dma_wait3A_195, %dma_wait3A_196] : memref<2x4x128xi32, #tpu.memory_space<vmem>> -> memref<1x4x128xi32, #tpu.memory_space<vmem>>
      %dma_wait3A_198 = tpu.memref_squeeze %dma_wait3A_197 : memref<1x4x128xi32, #tpu.memory_space<vmem>> -> memref<4x128xi32, #tpu.memory_space<vmem>>
      %dma_wait3A_199 = arith.constant 0 : i32
      %dma_wait3A_200 = tpu.memref_slice %arg5[%mul3A_6, %dma_wait3A_199] : memref<128x128xi32, #tpu.memory_space<hbm>> -> memref<4x128xi32, #tpu.memory_space<hbm>>
      %dma_wait3A_201 = arith.constant 0 : i32
      %dma_wait3A_202 = arith.constant 0 : i32
      %dma_wait3A_203 = tpu.memref_slice %arg8[%run_scoped3A_7, %dma_wait3A_201, %dma_wait3A_202] : memref<2x4x128xi32, #tpu.memory_space<vmem>> -> memref<1x4x128xi32, #tpu.memory_space<vmem>>
      %dma_wait3A_204 = tpu.memref_squeeze %dma_wait3A_203 : memref<1x4x128xi32, #tpu.memory_space<vmem>> -> memref<4x128xi32, #tpu.memory_space<vmem>>
      %dma_wait3A_205 = arith.constant 0 : i32
      %dma_wait3A_206 = tpu.memref_slice %arg5[%mul3A_6, %dma_wait3A_205] : memref<128x128xi32, #tpu.memory_space<hbm>> -> memref<4x128xi32, #tpu.memory_space<hbm>>
      tpu.wait_dma2 semaphore(%run_scoped3A_182 : memref<!tpu.dma_semaphore, #tpu.memory_space<semaphore_mem>>) src(%dma_wait3A_206 : memref<4x128xi32, #tpu.memory_space<hbm>>) dst(%dma_wait3A_204 : memref<4x128xi32, #tpu.memory_space<vmem>>)
      tpu.yield
    }) : () -> ()
    %dma_start3A = arith.constant 0 : i32
    %dma_start3A_8 = arith.constant 0 : i32
    %dma_start3A_9 = arith.constant 0 : i32
    %dma_start3A_10 = arith.constant 0 : i32
    %dma_start3A_11 = tpu.memref_slice %arg9[%dma_start3A_9, %dma_start3A_10] : memref<512x128xf32, #tpu.memory_space<vmem>> -> memref<128x128xf32, #tpu.memory_space<vmem>>
    %dma_start3A_12 = arith.constant 0 : i32
    %dma_start3A_13 = tpu.memref_slice %arg8[%dma_start3A, %dma_start3A_8, %dma_start3A_12] : memref<2x4x128xi32, #tpu.memory_space<vmem>> -> memref<1x1x128xi32, #tpu.memory_space<vmem>>
    %dma_start3A_14 = tpu.memref_squeeze %dma_start3A_13 : memref<1x1x128xi32, #tpu.memory_space<vmem>> -> memref<128xi32, #tpu.memory_space<vmem>>
    %dma_start3A_15 = arith.constant 0 : i32
    %dma_start3A_16 = arith.constant 0 : i32
    %dma_start3A_17 = tpu.memref_slice %arg2[%dma_start3A_15, %dma_start3A_16] : memref<73517x128xf32, #tpu.memory_space<hbm>> -> memref<73517x128xf32, #tpu.memory_space<hbm>>
    tpu.enqueue_indirect_dma source(%dma_start3A_17 : memref<73517x128xf32, #tpu.memory_space<hbm>>) target(%dma_start3A_11 : memref<128x128xf32, #tpu.memory_space<vmem>>) offsets(%dma_start3A_14 : memref<128xi32, #tpu.memory_space<vmem>>) semaphore(%arg10 : memref<!tpu.dma_semaphore, #tpu.memory_space<semaphore_mem>>)
    %dma_start3A_18 = arith.constant 0 : i32
    %dma_start3A_19 = arith.constant 1 : i32
    %dma_start3A_20 = arith.constant 128 : i32
    %dma_start3A_21 = arith.constant 0 : i32
    %dma_start3A_22 = tpu.memref_slice %arg9[%dma_start3A_20, %dma_start3A_21] : memref<512x128xf32, #tpu.memory_space<vmem>> -> memref<128x128xf32, #tpu.memory_space<vmem>>
    %dma_start3A_23 = arith.constant 0 : i32
    %dma_start3A_24 = tpu.memref_slice %arg8[%dma_start3A_18, %dma_start3A_19, %dma_start3A_23] : memref<2x4x128xi32, #tpu.memory_space<vmem>> -> memref<1x1x128xi32, #tpu.memory_space<vmem>>
    %dma_start3A_25 = tpu.memref_squeeze %dma_start3A_24 : memref<1x1x128xi32, #tpu.memory_space<vmem>> -> memref<128xi32, #tpu.memory_space<vmem>>
    %dma_start3A_26 = arith.constant 0 : i32
    %dma_start3A_27 = arith.constant 0 : i32
    %dma_start3A_28 = tpu.memref_slice %arg2[%dma_start3A_26, %dma_start3A_27] : memref<73517x128xf32, #tpu.memory_space<hbm>> -> memref<73517x128xf32, #tpu.memory_space<hbm>>
    tpu.enqueue_indirect_dma source(%dma_start3A_28 : memref<73517x128xf32, #tpu.memory_space<hbm>>) target(%dma_start3A_22 : memref<128x128xf32, #tpu.memory_space<vmem>>) offsets(%dma_start3A_25 : memref<128xi32, #tpu.memory_space<vmem>>) semaphore(%arg10 : memref<!tpu.dma_semaphore, #tpu.memory_space<semaphore_mem>>)
    %dma_start3A_29 = arith.constant 0 : i32
    %dma_start3A_30 = arith.constant 2 : i32
    %dma_start3A_31 = arith.constant 256 : i32
    %dma_start3A_32 = arith.constant 0 : i32
    %dma_start3A_33 = tpu.memref_slice %arg9[%dma_start3A_31, %dma_start3A_32] : memref<512x128xf32, #tpu.memory_space<vmem>> -> memref<128x128xf32, #tpu.memory_space<vmem>>
    %dma_start3A_34 = arith.constant 0 : i32
    %dma_start3A_35 = tpu.memref_slice %arg8[%dma_start3A_29, %dma_start3A_30, %dma_start3A_34] : memref<2x4x128xi32, #tpu.memory_space<vmem>> -> memref<1x1x128xi32, #tpu.memory_space<vmem>>
    %dma_start3A_36 = tpu.memref_squeeze %dma_start3A_35 : memref<1x1x128xi32, #tpu.memory_space<vmem>> -> memref<128xi32, #tpu.memory_space<vmem>>
    %dma_start3A_37 = arith.constant 0 : i32
    %dma_start3A_38 = arith.constant 0 : i32
    %dma_start3A_39 = tpu.memref_slice %arg2[%dma_start3A_37, %dma_start3A_38] : memref<73517x128xf32, #tpu.memory_space<hbm>> -> memref<73517x128xf32, #tpu.memory_space<hbm>>
    tpu.enqueue_indirect_dma source(%dma_start3A_39 : memref<73517x128xf32, #tpu.memory_space<hbm>>) target(%dma_start3A_33 : memref<128x128xf32, #tpu.memory_space<vmem>>) offsets(%dma_start3A_36 : memref<128xi32, #tpu.memory_space<vmem>>) semaphore(%arg10 : memref<!tpu.dma_semaphore, #tpu.memory_space<semaphore_mem>>)
    %dma_start3A_40 = arith.constant 0 : i32
    %dma_start3A_41 = arith.constant 3 : i32
    %dma_start3A_42 = arith.constant 384 : i32
    %dma_start3A_43 = arith.constant 0 : i32
    %dma_start3A_44 = tpu.memref_slice %arg9[%dma_start3A_42, %dma_start3A_43] : memref<512x128xf32, #tpu.memory_space<vmem>> -> memref<128x128xf32, #tpu.memory_space<vmem>>
    %dma_start3A_45 = arith.constant 0 : i32
    %dma_start3A_46 = tpu.memref_slice %arg8[%dma_start3A_40, %dma_start3A_41, %dma_start3A_45] : memref<2x4x128xi32, #tpu.memory_space<vmem>> -> memref<1x1x128xi32, #tpu.memory_space<vmem>>
    %dma_start3A_47 = tpu.memref_squeeze %dma_start3A_46 : memref<1x1x128xi32, #tpu.memory_space<vmem>> -> memref<128xi32, #tpu.memory_space<vmem>>
    %dma_start3A_48 = arith.constant 0 : i32
    %dma_start3A_49 = arith.constant 0 : i32
    %dma_start3A_50 = tpu.memref_slice %arg2[%dma_start3A_48, %dma_start3A_49] : memref<73517x128xf32, #tpu.memory_space<hbm>> -> memref<73517x128xf32, #tpu.memory_space<hbm>>
    tpu.enqueue_indirect_dma source(%dma_start3A_50 : memref<73517x128xf32, #tpu.memory_space<hbm>>) target(%dma_start3A_44 : memref<128x128xf32, #tpu.memory_space<vmem>>) offsets(%dma_start3A_47 : memref<128xi32, #tpu.memory_space<vmem>>) semaphore(%arg10 : memref<!tpu.dma_semaphore, #tpu.memory_space<semaphore_mem>>)
    %dma_wait3A = arith.constant 0 : i32
    %dma_wait3A_51 = arith.constant 0 : i32
    %dma_wait3A_52 = arith.constant 0 : i32
    %dma_wait3A_53 = arith.constant 0 : i32
    %dma_wait3A_54 = tpu.memref_slice %arg9[%dma_wait3A_52, %dma_wait3A_53] : memref<512x128xf32, #tpu.memory_space<vmem>> -> memref<128x128xf32, #tpu.memory_space<vmem>>
    %dma_wait3A_55 = arith.constant 0 : i32
    %dma_wait3A_56 = tpu.memref_slice %arg8[%dma_wait3A, %dma_wait3A_51, %dma_wait3A_55] : memref<2x4x128xi32, #tpu.memory_space<vmem>> -> memref<1x1x128xi32, #tpu.memory_space<vmem>>
    %dma_wait3A_57 = tpu.memref_squeeze %dma_wait3A_56 : memref<1x1x128xi32, #tpu.memory_space<vmem>> -> memref<128xi32, #tpu.memory_space<vmem>>
    %dma_wait3A_58 = arith.constant 0 : i32
    %dma_wait3A_59 = arith.constant 0 : i32
    %dma_wait3A_60 = tpu.memref_slice %arg2[%dma_wait3A_58, %dma_wait3A_59] : memref<73517x128xf32, #tpu.memory_space<hbm>> -> memref<73517x128xf32, #tpu.memory_space<hbm>>
    tpu.wait_indirect_dma semaphore(%arg10 : memref<!tpu.dma_semaphore, #tpu.memory_space<semaphore_mem>>) src(%dma_wait3A_60 : memref<73517x128xf32, #tpu.memory_space<hbm>>) dst(%dma_wait3A_54 : memref<128x128xf32, #tpu.memory_space<vmem>>)
    %dma_wait3A_61 = arith.constant 0 : i32
    %dma_wait3A_62 = arith.constant 1 : i32
    %dma_wait3A_63 = arith.constant 128 : i32
    %dma_wait3A_64 = arith.constant 0 : i32
    %dma_wait3A_65 = tpu.memref_slice %arg9[%dma_wait3A_63, %dma_wait3A_64] : memref<512x128xf32, #tpu.memory_space<vmem>> -> memref<128x128xf32, #tpu.memory_space<vmem>>
    %dma_wait3A_66 = arith.constant 0 : i32
    %dma_wait3A_67 = tpu.memref_slice %arg8[%dma_wait3A_61, %dma_wait3A_62, %dma_wait3A_66] : memref<2x4x128xi32, #tpu.memory_space<vmem>> -> memref<1x1x128xi32, #tpu.memory_space<vmem>>
    %dma_wait3A_68 = tpu.memref_squeeze %dma_wait3A_67 : memref<1x1x128xi32, #tpu.memory_space<vmem>> -> memref<128xi32, #tpu.memory_space<vmem>>
    %dma_wait3A_69 = arith.constant 0 : i32
    %dma_wait3A_70 = arith.constant 0 : i32
    %dma_wait3A_71 = tpu.memref_slice %arg2[%dma_wait3A_69, %dma_wait3A_70] : memref<73517x128xf32, #tpu.memory_space<hbm>> -> memref<73517x128xf32, #tpu.memory_space<hbm>>
    tpu.wait_indirect_dma semaphore(%arg10 : memref<!tpu.dma_semaphore, #tpu.memory_space<semaphore_mem>>) src(%dma_wait3A_71 : memref<73517x128xf32, #tpu.memory_space<hbm>>) dst(%dma_wait3A_65 : memref<128x128xf32, #tpu.memory_space<vmem>>)
    %dma_wait3A_72 = arith.constant 0 : i32
    %dma_wait3A_73 = arith.constant 2 : i32
    %dma_wait3A_74 = arith.constant 256 : i32
    %dma_wait3A_75 = arith.constant 0 : i32
    %dma_wait3A_76 = tpu.memref_slice %arg9[%dma_wait3A_74, %dma_wait3A_75] : memref<512x128xf32, #tpu.memory_space<vmem>> -> memref<128x128xf32, #tpu.memory_space<vmem>>
    %dma_wait3A_77 = arith.constant 0 : i32
    %dma_wait3A_78 = tpu.memref_slice %arg8[%dma_wait3A_72, %dma_wait3A_73, %dma_wait3A_77] : memref<2x4x128xi32, #tpu.memory_space<vmem>> -> memref<1x1x128xi32, #tpu.memory_space<vmem>>
    %dma_wait3A_79 = tpu.memref_squeeze %dma_wait3A_78 : memref<1x1x128xi32, #tpu.memory_space<vmem>> -> memref<128xi32, #tpu.memory_space<vmem>>
    %dma_wait3A_80 = arith.constant 0 : i32
    %dma_wait3A_81 = arith.constant 0 : i32
    %dma_wait3A_82 = tpu.memref_slice %arg2[%dma_wait3A_80, %dma_wait3A_81] : memref<73517x128xf32, #tpu.memory_space<hbm>> -> memref<73517x128xf32, #tpu.memory_space<hbm>>
    tpu.wait_indirect_dma semaphore(%arg10 : memref<!tpu.dma_semaphore, #tpu.memory_space<semaphore_mem>>) src(%dma_wait3A_82 : memref<73517x128xf32, #tpu.memory_space<hbm>>) dst(%dma_wait3A_76 : memref<128x128xf32, #tpu.memory_space<vmem>>)
    %dma_wait3A_83 = arith.constant 0 : i32
    %dma_wait3A_84 = arith.constant 3 : i32
    %dma_wait3A_85 = arith.constant 384 : i32
    %dma_wait3A_86 = arith.constant 0 : i32
    %dma_wait3A_87 = tpu.memref_slice %arg9[%dma_wait3A_85, %dma_wait3A_86] : memref<512x128xf32, #tpu.memory_space<vmem>> -> memref<128x128xf32, #tpu.memory_space<vmem>>
    %dma_wait3A_88 = arith.constant 0 : i32
    %dma_wait3A_89 = tpu.memref_slice %arg8[%dma_wait3A_83, %dma_wait3A_84, %dma_wait3A_88] : memref<2x4x128xi32, #tpu.memory_space<vmem>> -> memref<1x1x128xi32, #tpu.memory_space<vmem>>
    %dma_wait3A_90 = tpu.memref_squeeze %dma_wait3A_89 : memref<1x1x128xi32, #tpu.memory_space<vmem>> -> memref<128xi32, #tpu.memory_space<vmem>>
    %dma_wait3A_91 = arith.constant 0 : i32
    %dma_wait3A_92 = arith.constant 0 : i32
    %dma_wait3A_93 = tpu.memref_slice %arg2[%dma_wait3A_91, %dma_wait3A_92] : memref<73517x128xf32, #tpu.memory_space<hbm>> -> memref<73517x128xf32, #tpu.memory_space<hbm>>
    tpu.wait_indirect_dma semaphore(%arg10 : memref<!tpu.dma_semaphore, #tpu.memory_space<semaphore_mem>>) src(%dma_wait3A_93 : memref<73517x128xf32, #tpu.memory_space<hbm>>) dst(%dma_wait3A_87 : memref<128x128xf32, #tpu.memory_space<vmem>>)
    "tpu.region"() ({
      %run_scoped3A_182 = tpu.sem_alloc : memref<!tpu.dma_semaphore, #tpu.memory_space<semaphore_mem>>
      %dma_start3A_183 = arith.constant 0 : i32
      %dma_start3A_184 = tpu.memref_slice %arg6[%mul3A_2, %dma_start3A_183] : memref<16384x128xf32, #tpu.memory_space<hbm>> -> memref<512x128xf32, #tpu.memory_space<hbm>>
      %dma_start3A_185 = arith.constant 0 : i32
      %dma_start3A_186 = tpu.memref_slice %arg6[%mul3A_2, %dma_start3A_185] : memref<16384x128xf32, #tpu.memory_space<hbm>> -> memref<512x128xf32, #tpu.memory_space<hbm>>
      tpu.enqueue_dma source(%arg9 : memref<512x128xf32, #tpu.memory_space<vmem>>) target(%dma_start3A_186 : memref<512x128xf32, #tpu.memory_space<hbm>>) target_semaphore(%run_scoped3A_182 : memref<!tpu.dma_semaphore, #tpu.memory_space<semaphore_mem>>)
      %dma_wait3A_187 = arith.constant 0 : i32
      %dma_wait3A_188 = tpu.memref_slice %arg6[%mul3A_2, %dma_wait3A_187] : memref<16384x128xf32, #tpu.memory_space<hbm>> -> memref<512x128xf32, #tpu.memory_space<hbm>>
      %dma_wait3A_189 = arith.constant 0 : i32
      %dma_wait3A_190 = tpu.memref_slice %arg6[%mul3A_2, %dma_wait3A_189] : memref<16384x128xf32, #tpu.memory_space<hbm>> -> memref<512x128xf32, #tpu.memory_space<hbm>>
      tpu.wait_dma2 semaphore(%run_scoped3A_182 : memref<!tpu.dma_semaphore, #tpu.memory_space<semaphore_mem>>) src(%arg9 : memref<512x128xf32, #tpu.memory_space<vmem>>) dst(%dma_wait3A_190 : memref<512x128xf32, #tpu.memory_space<hbm>>)
      tpu.yield
    }) : () -> ()
    %dma_start3A_94 = arith.constant 1 : i32
    %dma_start3A_95 = arith.constant 0 : i32
    %dma_start3A_96 = arith.constant 0 : i32
    %dma_start3A_97 = arith.constant 0 : i32
    %dma_start3A_98 = tpu.memref_slice %arg9[%dma_start3A_96, %dma_start3A_97] : memref<512x128xf32, #tpu.memory_space<vmem>> -> memref<128x128xf32, #tpu.memory_space<vmem>>
    %dma_start3A_99 = arith.constant 0 : i32
    %dma_start3A_100 = tpu.memref_slice %arg8[%dma_start3A_94, %dma_start3A_95, %dma_start3A_99] : memref<2x4x128xi32, #tpu.memory_space<vmem>> -> memref<1x1x128xi32, #tpu.memory_space<vmem>>
    %dma_start3A_101 = tpu.memref_squeeze %dma_start3A_100 : memref<1x1x128xi32, #tpu.memory_space<vmem>> -> memref<128xi32, #tpu.memory_space<vmem>>
    %dma_start3A_102 = arith.constant 0 : i32
    %dma_start3A_103 = arith.constant 0 : i32
    %dma_start3A_104 = tpu.memref_slice %arg3[%dma_start3A_102, %dma_start3A_103] : memref<12294x128xf32, #tpu.memory_space<hbm>> -> memref<12294x128xf32, #tpu.memory_space<hbm>>
    tpu.enqueue_indirect_dma source(%dma_start3A_104 : memref<12294x128xf32, #tpu.memory_space<hbm>>) target(%dma_start3A_98 : memref<128x128xf32, #tpu.memory_space<vmem>>) offsets(%dma_start3A_101 : memref<128xi32, #tpu.memory_space<vmem>>) semaphore(%arg10 : memref<!tpu.dma_semaphore, #tpu.memory_space<semaphore_mem>>)
    %dma_start3A_105 = arith.constant 1 : i32
    %dma_start3A_106 = arith.constant 1 : i32
    %dma_start3A_107 = arith.constant 128 : i32
    %dma_start3A_108 = arith.constant 0 : i32
    %dma_start3A_109 = tpu.memref_slice %arg9[%dma_start3A_107, %dma_start3A_108] : memref<512x128xf32, #tpu.memory_space<vmem>> -> memref<128x128xf32, #tpu.memory_space<vmem>>
    %dma_start3A_110 = arith.constant 0 : i32
    %dma_start3A_111 = tpu.memref_slice %arg8[%dma_start3A_105, %dma_start3A_106, %dma_start3A_110] : memref<2x4x128xi32, #tpu.memory_space<vmem>> -> memref<1x1x128xi32, #tpu.memory_space<vmem>>
    %dma_start3A_112 = tpu.memref_squeeze %dma_start3A_111 : memref<1x1x128xi32, #tpu.memory_space<vmem>> -> memref<128xi32, #tpu.memory_space<vmem>>
    %dma_start3A_113 = arith.constant 0 : i32
    %dma_start3A_114 = arith.constant 0 : i32
    %dma_start3A_115 = tpu.memref_slice %arg3[%dma_start3A_113, %dma_start3A_114] : memref<12294x128xf32, #tpu.memory_space<hbm>> -> memref<12294x128xf32, #tpu.memory_space<hbm>>
    tpu.enqueue_indirect_dma source(%dma_start3A_115 : memref<12294x128xf32, #tpu.memory_space<hbm>>) target(%dma_start3A_109 : memref<128x128xf32, #tpu.memory_space<vmem>>) offsets(%dma_start3A_112 : memref<128xi32, #tpu.memory_space<vmem>>) semaphore(%arg10 : memref<!tpu.dma_semaphore, #tpu.memory_space<semaphore_mem>>)
    %dma_start3A_116 = arith.constant 1 : i32
    %dma_start3A_117 = arith.constant 2 : i32
    %dma_start3A_118 = arith.constant 256 : i32
    %dma_start3A_119 = arith.constant 0 : i32
    %dma_start3A_120 = tpu.memref_slice %arg9[%dma_start3A_118, %dma_start3A_119] : memref<512x128xf32, #tpu.memory_space<vmem>> -> memref<128x128xf32, #tpu.memory_space<vmem>>
    %dma_start3A_121 = arith.constant 0 : i32
    %dma_start3A_122 = tpu.memref_slice %arg8[%dma_start3A_116, %dma_start3A_117, %dma_start3A_121] : memref<2x4x128xi32, #tpu.memory_space<vmem>> -> memref<1x1x128xi32, #tpu.memory_space<vmem>>
    %dma_start3A_123 = tpu.memref_squeeze %dma_start3A_122 : memref<1x1x128xi32, #tpu.memory_space<vmem>> -> memref<128xi32, #tpu.memory_space<vmem>>
    %dma_start3A_124 = arith.constant 0 : i32
    %dma_start3A_125 = arith.constant 0 : i32
    %dma_start3A_126 = tpu.memref_slice %arg3[%dma_start3A_124, %dma_start3A_125] : memref<12294x128xf32, #tpu.memory_space<hbm>> -> memref<12294x128xf32, #tpu.memory_space<hbm>>
    tpu.enqueue_indirect_dma source(%dma_start3A_126 : memref<12294x128xf32, #tpu.memory_space<hbm>>) target(%dma_start3A_120 : memref<128x128xf32, #tpu.memory_space<vmem>>) offsets(%dma_start3A_123 : memref<128xi32, #tpu.memory_space<vmem>>) semaphore(%arg10 : memref<!tpu.dma_semaphore, #tpu.memory_space<semaphore_mem>>)
    %dma_start3A_127 = arith.constant 1 : i32
    %dma_start3A_128 = arith.constant 3 : i32
    %dma_start3A_129 = arith.constant 384 : i32
    %dma_start3A_130 = arith.constant 0 : i32
    %dma_start3A_131 = tpu.memref_slice %arg9[%dma_start3A_129, %dma_start3A_130] : memref<512x128xf32, #tpu.memory_space<vmem>> -> memref<128x128xf32, #tpu.memory_space<vmem>>
    %dma_start3A_132 = arith.constant 0 : i32
    %dma_start3A_133 = tpu.memref_slice %arg8[%dma_start3A_127, %dma_start3A_128, %dma_start3A_132] : memref<2x4x128xi32, #tpu.memory_space<vmem>> -> memref<1x1x128xi32, #tpu.memory_space<vmem>>
    %dma_start3A_134 = tpu.memref_squeeze %dma_start3A_133 : memref<1x1x128xi32, #tpu.memory_space<vmem>> -> memref<128xi32, #tpu.memory_space<vmem>>
    %dma_start3A_135 = arith.constant 0 : i32
    %dma_start3A_136 = arith.constant 0 : i32
    %dma_start3A_137 = tpu.memref_slice %arg3[%dma_start3A_135, %dma_start3A_136] : memref<12294x128xf32, #tpu.memory_space<hbm>> -> memref<12294x128xf32, #tpu.memory_space<hbm>>
    tpu.enqueue_indirect_dma source(%dma_start3A_137 : memref<12294x128xf32, #tpu.memory_space<hbm>>) target(%dma_start3A_131 : memref<128x128xf32, #tpu.memory_space<vmem>>) offsets(%dma_start3A_134 : memref<128xi32, #tpu.memory_space<vmem>>) semaphore(%arg10 : memref<!tpu.dma_semaphore, #tpu.memory_space<semaphore_mem>>)
    %dma_wait3A_138 = arith.constant 1 : i32
    %dma_wait3A_139 = arith.constant 0 : i32
    %dma_wait3A_140 = arith.constant 0 : i32
    %dma_wait3A_141 = arith.constant 0 : i32
    %dma_wait3A_142 = tpu.memref_slice %arg9[%dma_wait3A_140, %dma_wait3A_141] : memref<512x128xf32, #tpu.memory_space<vmem>> -> memref<128x128xf32, #tpu.memory_space<vmem>>
    %dma_wait3A_143 = arith.constant 0 : i32
    %dma_wait3A_144 = tpu.memref_slice %arg8[%dma_wait3A_138, %dma_wait3A_139, %dma_wait3A_143] : memref<2x4x128xi32, #tpu.memory_space<vmem>> -> memref<1x1x128xi32, #tpu.memory_space<vmem>>
    %dma_wait3A_145 = tpu.memref_squeeze %dma_wait3A_144 : memref<1x1x128xi32, #tpu.memory_space<vmem>> -> memref<128xi32, #tpu.memory_space<vmem>>
    %dma_wait3A_146 = arith.constant 0 : i32
    %dma_wait3A_147 = arith.constant 0 : i32
    %dma_wait3A_148 = tpu.memref_slice %arg3[%dma_wait3A_146, %dma_wait3A_147] : memref<12294x128xf32, #tpu.memory_space<hbm>> -> memref<12294x128xf32, #tpu.memory_space<hbm>>
    tpu.wait_indirect_dma semaphore(%arg10 : memref<!tpu.dma_semaphore, #tpu.memory_space<semaphore_mem>>) src(%dma_wait3A_148 : memref<12294x128xf32, #tpu.memory_space<hbm>>) dst(%dma_wait3A_142 : memref<128x128xf32, #tpu.memory_space<vmem>>)
    %dma_wait3A_149 = arith.constant 1 : i32
    %dma_wait3A_150 = arith.constant 1 : i32
    %dma_wait3A_151 = arith.constant 128 : i32
    %dma_wait3A_152 = arith.constant 0 : i32
    %dma_wait3A_153 = tpu.memref_slice %arg9[%dma_wait3A_151, %dma_wait3A_152] : memref<512x128xf32, #tpu.memory_space<vmem>> -> memref<128x128xf32, #tpu.memory_space<vmem>>
    %dma_wait3A_154 = arith.constant 0 : i32
    %dma_wait3A_155 = tpu.memref_slice %arg8[%dma_wait3A_149, %dma_wait3A_150, %dma_wait3A_154] : memref<2x4x128xi32, #tpu.memory_space<vmem>> -> memref<1x1x128xi32, #tpu.memory_space<vmem>>
    %dma_wait3A_156 = tpu.memref_squeeze %dma_wait3A_155 : memref<1x1x128xi32, #tpu.memory_space<vmem>> -> memref<128xi32, #tpu.memory_space<vmem>>
    %dma_wait3A_157 = arith.constant 0 : i32
    %dma_wait3A_158 = arith.constant 0 : i32
    %dma_wait3A_159 = tpu.memref_slice %arg3[%dma_wait3A_157, %dma_wait3A_158] : memref<12294x128xf32, #tpu.memory_space<hbm>> -> memref<12294x128xf32, #tpu.memory_space<hbm>>
    tpu.wait_indirect_dma semaphore(%arg10 : memref<!tpu.dma_semaphore, #tpu.memory_space<semaphore_mem>>) src(%dma_wait3A_159 : memref<12294x128xf32, #tpu.memory_space<hbm>>) dst(%dma_wait3A_153 : memref<128x128xf32, #tpu.memory_space<vmem>>)
    %dma_wait3A_160 = arith.constant 1 : i32
    %dma_wait3A_161 = arith.constant 2 : i32
    %dma_wait3A_162 = arith.constant 256 : i32
    %dma_wait3A_163 = arith.constant 0 : i32
    %dma_wait3A_164 = tpu.memref_slice %arg9[%dma_wait3A_162, %dma_wait3A_163] : memref<512x128xf32, #tpu.memory_space<vmem>> -> memref<128x128xf32, #tpu.memory_space<vmem>>
    %dma_wait3A_165 = arith.constant 0 : i32
    %dma_wait3A_166 = tpu.memref_slice %arg8[%dma_wait3A_160, %dma_wait3A_161, %dma_wait3A_165] : memref<2x4x128xi32, #tpu.memory_space<vmem>> -> memref<1x1x128xi32, #tpu.memory_space<vmem>>
    %dma_wait3A_167 = tpu.memref_squeeze %dma_wait3A_166 : memref<1x1x128xi32, #tpu.memory_space<vmem>> -> memref<128xi32, #tpu.memory_space<vmem>>
    %dma_wait3A_168 = arith.constant 0 : i32
    %dma_wait3A_169 = arith.constant 0 : i32
    %dma_wait3A_170 = tpu.memref_slice %arg3[%dma_wait3A_168, %dma_wait3A_169] : memref<12294x128xf32, #tpu.memory_space<hbm>> -> memref<12294x128xf32, #tpu.memory_space<hbm>>
    tpu.wait_indirect_dma semaphore(%arg10 : memref<!tpu.dma_semaphore, #tpu.memory_space<semaphore_mem>>) src(%dma_wait3A_170 : memref<12294x128xf32, #tpu.memory_space<hbm>>) dst(%dma_wait3A_164 : memref<128x128xf32, #tpu.memory_space<vmem>>)
    %dma_wait3A_171 = arith.constant 1 : i32
    %dma_wait3A_172 = arith.constant 3 : i32
    %dma_wait3A_173 = arith.constant 384 : i32
    %dma_wait3A_174 = arith.constant 0 : i32
    %dma_wait3A_175 = tpu.memref_slice %arg9[%dma_wait3A_173, %dma_wait3A_174] : memref<512x128xf32, #tpu.memory_space<vmem>> -> memref<128x128xf32, #tpu.memory_space<vmem>>
    %dma_wait3A_176 = arith.constant 0 : i32
    %dma_wait3A_177 = tpu.memref_slice %arg8[%dma_wait3A_171, %dma_wait3A_172, %dma_wait3A_176] : memref<2x4x128xi32, #tpu.memory_space<vmem>> -> memref<1x1x128xi32, #tpu.memory_space<vmem>>
    %dma_wait3A_178 = tpu.memref_squeeze %dma_wait3A_177 : memref<1x1x128xi32, #tpu.memory_space<vmem>> -> memref<128xi32, #tpu.memory_space<vmem>>
    %dma_wait3A_179 = arith.constant 0 : i32
    %dma_wait3A_180 = arith.constant 0 : i32
    %dma_wait3A_181 = tpu.memref_slice %arg3[%dma_wait3A_179, %dma_wait3A_180] : memref<12294x128xf32, #tpu.memory_space<hbm>> -> memref<12294x128xf32, #tpu.memory_space<hbm>>
    tpu.wait_indirect_dma semaphore(%arg10 : memref<!tpu.dma_semaphore, #tpu.memory_space<semaphore_mem>>) src(%dma_wait3A_181 : memref<12294x128xf32, #tpu.memory_space<hbm>>) dst(%dma_wait3A_175 : memref<128x128xf32, #tpu.memory_space<vmem>>)
    "tpu.region"() ({
      %run_scoped3A_182 = tpu.sem_alloc : memref<!tpu.dma_semaphore, #tpu.memory_space<semaphore_mem>>
      %dma_start3A_183 = arith.constant 0 : i32
      %dma_start3A_184 = tpu.memref_slice %arg7[%mul3A_2, %dma_start3A_183] : memref<16384x128xf32, #tpu.memory_space<hbm>> -> memref<512x128xf32, #tpu.memory_space<hbm>>
      %dma_start3A_185 = arith.constant 0 : i32
      %dma_start3A_186 = tpu.memref_slice %arg7[%mul3A_2, %dma_start3A_185] : memref<16384x128xf32, #tpu.memory_space<hbm>> -> memref<512x128xf32, #tpu.memory_space<hbm>>
      tpu.enqueue_dma source(%arg9 : memref<512x128xf32, #tpu.memory_space<vmem>>) target(%dma_start3A_186 : memref<512x128xf32, #tpu.memory_space<hbm>>) target_semaphore(%run_scoped3A_182 : memref<!tpu.dma_semaphore, #tpu.memory_space<semaphore_mem>>)
      %dma_wait3A_187 = arith.constant 0 : i32
      %dma_wait3A_188 = tpu.memref_slice %arg7[%mul3A_2, %dma_wait3A_187] : memref<16384x128xf32, #tpu.memory_space<hbm>> -> memref<512x128xf32, #tpu.memory_space<hbm>>
      %dma_wait3A_189 = arith.constant 0 : i32
      %dma_wait3A_190 = tpu.memref_slice %arg7[%mul3A_2, %dma_wait3A_189] : memref<16384x128xf32, #tpu.memory_space<hbm>> -> memref<512x128xf32, #tpu.memory_space<hbm>>
      tpu.wait_dma2 semaphore(%run_scoped3A_182 : memref<!tpu.dma_semaphore, #tpu.memory_space<semaphore_mem>>) src(%arg9 : memref<512x128xf32, #tpu.memory_space<vmem>>) dst(%dma_wait3A_190 : memref<512x128xf32, #tpu.memory_space<hbm>>)
      tpu.yield
    }) : () -> ()
    return
  }
}

module attributes {stable_mosaic.version = 14 : i64} {
  func.func @_tx_body(%arg0: i32, %arg1: memref<2048x100xf32, #tpu.memory_space<vmem>>, %arg2: memref<100x128xf32, #tpu.memory_space<vmem>>, %arg3: memref<2048x128xf32, #tpu.memory_space<vmem>>) attributes {dimension_semantics = [#tpu.dimension_semantics<arbitrary>], iteration_bounds = array<i64: 36>, scalar_prefetch = 0 : i64, scratch_operands = 0 : i64, tpu.core_type = #tpu.core_type<tc>, window_params = [{transform_indices = @transform_0, window_bounds = array<i64: 2048, 100>}, {pipeline_mode = #tpu.pipeline_mode<synchronous>, transform_indices = @transform_1, window_bounds = array<i64: 100, 128>}, {transform_indices = @transform_2, window_bounds = array<i64: 2048, 128>}]} {
    %get3A = arith.constant 0 : index
    %get3A_0 = arith.constant 0 : index
    %get3A_1 = vector.load %arg1[%get3A, %get3A_0] : memref<2048x100xf32, #tpu.memory_space<vmem>>, vector<2048x100xf32>
    %get3A_2 = arith.constant 0 : index
    %get3A_3 = arith.constant 0 : index
    %get3A_4 = vector.load %arg2[%get3A_2, %get3A_3] : memref<100x128xf32, #tpu.memory_space<vmem>>, vector<100x128xf32>
    %dot_general3A = arith.constant dense<0.000000e+00> : vector<2048x128xf32>
    %dot_general3A_5 = tpu.matmul %get3A_1, %get3A_4, %dot_general3A {dimension_numbers = #tpu.dot_dimension_numbers<[1], [0], [0], [1], [0, 0, 1, 1], [], []>, transpose_lhs_hint = false} : vector<2048x100xf32>, vector<100x128xf32>, vector<2048x128xf32> -> vector<2048x128xf32>
    %swap3A = arith.constant 0 : index
    %swap3A_6 = arith.constant 0 : index
    %swap3A_7 = vector.load %arg3[%swap3A, %swap3A_6] : memref<2048x128xf32, #tpu.memory_space<vmem>>, vector<2048x128xf32>
    tpu.vector_store %arg3[%swap3A, %swap3A_6], %dot_general3A_5 {strides = array<i32>} : memref<2048x128xf32, #tpu.memory_space<vmem>>, vector<2048x128xf32>,
    return
  }
  func.func @transform_0(%arg0: i32) -> (i32, i32) {
    %c0_i32 = arith.constant 0 : i32
    %c0_i32_0 = arith.constant 0 : i32
    return %arg0, %c0_i32 : i32, i32
  }
  func.func @transform_1(%arg0: i32) -> (i32, i32) {
    %c0_i32 = arith.constant 0 : i32
    %c0_i32_0 = arith.constant 0 : i32
    %c0_i32_1 = arith.constant 0 : i32
    return %c0_i32, %c0_i32_0 : i32, i32
  }
  func.func @transform_2(%arg0: i32) -> (i32, i32) {
    %c0_i32 = arith.constant 0 : i32
    %c0_i32_0 = arith.constant 0 : i32
    return %arg0, %c0_i32 : i32, i32
  }
}

module attributes {stable_mosaic.version = 14 : i64} {
  func.func @_tx_body(%arg0: i32, %arg1: memref<2048x100xf32, #tpu.memory_space<vmem>>, %arg2: memref<100x128xf32, #tpu.memory_space<vmem>>, %arg3: memref<2048x128xf32, #tpu.memory_space<vmem>>) attributes {dimension_semantics = [#tpu.dimension_semantics<arbitrary>], iteration_bounds = array<i64: 7>, scalar_prefetch = 0 : i64, scratch_operands = 0 : i64, tpu.core_type = #tpu.core_type<tc>, window_params = [{transform_indices = @transform_0, window_bounds = array<i64: 2048, 100>}, {pipeline_mode = #tpu.pipeline_mode<synchronous>, transform_indices = @transform_1, window_bounds = array<i64: 100, 128>}, {transform_indices = @transform_2, window_bounds = array<i64: 2048, 128>}]} {
    %get3A = arith.constant 0 : index
    %get3A_0 = arith.constant 0 : index
    %get3A_1 = vector.load %arg1[%get3A, %get3A_0] : memref<2048x100xf32, #tpu.memory_space<vmem>>, vector<2048x100xf32>
    %get3A_2 = arith.constant 0 : index
    %get3A_3 = arith.constant 0 : index
    %get3A_4 = vector.load %arg2[%get3A_2, %get3A_3] : memref<100x128xf32, #tpu.memory_space<vmem>>, vector<100x128xf32>
    %dot_general3A = arith.constant dense<0.000000e+00> : vector<2048x128xf32>
    %dot_general3A_5 = tpu.matmul %get3A_1, %get3A_4, %dot_general3A {dimension_numbers = #tpu.dot_dimension_numbers<[1], [0], [0], [1], [0, 0, 1, 1], [], []>, transpose_lhs_hint = false} : vector<2048x100xf32>, vector<100x128xf32>, vector<2048x128xf32> -> vector<2048x128xf32>
    %swap3A = arith.constant 0 : index
    %swap3A_6 = arith.constant 0 : index
    %swap3A_7 = vector.load %arg3[%swap3A, %swap3A_6] : memref<2048x128xf32, #tpu.memory_space<vmem>>, vector<2048x128xf32>
    tpu.vector_store %arg3[%swap3A, %swap3A_6], %dot_general3A_5 {strides = array<i32>} : memref<2048x128xf32, #tpu.memory_space<vmem>>, vector<2048x128xf32>,
    return
  }
  func.func @transform_0(%arg0: i32) -> (i32, i32) {
    %c0_i32 = arith.constant 0 : i32
    %c0_i32_0 = arith.constant 0 : i32
    return %arg0, %c0_i32 : i32, i32
  }
  func.func @transform_1(%arg0: i32) -> (i32, i32) {
    %c0_i32 = arith.constant 0 : i32
    %c0_i32_0 = arith.constant 0 : i32
    %c0_i32_1 = arith.constant 0 : i32
    return %c0_i32, %c0_i32_0 : i32, i32
  }
  func.func @transform_2(%arg0: i32) -> (i32, i32) {
    %c0_i32 = arith.constant 0 : i32
    %c0_i32_0 = arith.constant 0 : i32
    return %arg0, %c0_i32 : i32, i32
  }
}

module attributes {stable_mosaic.version = 14 : i64} {
  func.func @_mlp_body(%arg0: i32, %arg1: memref<2048x128xf32, #tpu.memory_space<vmem>>, %arg2: memref<2048x128xf32, #tpu.memory_space<vmem>>, %arg3: memref<2048x56xf32, #tpu.memory_space<vmem>>, %arg4: memref<56x128xf32, #tpu.memory_space<vmem>>, %arg5: memref<1x128xf32, #tpu.memory_space<vmem>>, %arg6: memref<128x32xf32, #tpu.memory_space<vmem>>, %arg7: memref<1x32xf32, #tpu.memory_space<vmem>>, %arg8: memref<32x1xf32, #tpu.memory_space<vmem>>, %arg9: memref<1x1xf32, #tpu.memory_space<vmem>>, %arg10: memref<2048x1xf32, #tpu.memory_space<vmem>>) attributes {dimension_semantics = [#tpu.dimension_semantics<arbitrary>], iteration_bounds = array<i64: 8>, scalar_prefetch = 0 : i64, scratch_operands = 0 : i64, tpu.core_type = #tpu.core_type<tc>, window_params = [{transform_indices = @transform_0, window_bounds = array<i64: 2048, 128>}, {transform_indices = @transform_1, window_bounds = array<i64: 2048, 128>}, {transform_indices = @transform_2, window_bounds = array<i64: 2048, 56>}, {pipeline_mode = #tpu.pipeline_mode<synchronous>, transform_indices = @transform_3, window_bounds = array<i64: 56, 128>}, {pipeline_mode = #tpu.pipeline_mode<synchronous>, transform_indices = @transform_4, window_bounds = array<i64: 1, 128>}, {pipeline_mode = #tpu.pipeline_mode<synchronous>, transform_indices = @transform_5, window_bounds = array<i64: 128, 32>}, {pipeline_mode = #tpu.pipeline_mode<synchronous>, transform_indices = @transform_6, window_bounds = array<i64: 1, 32>}, {pipeline_mode = #tpu.pipeline_mode<synchronous>, transform_indices = @transform_7, window_bounds = array<i64: 32, 1>}, {pipeline_mode = #tpu.pipeline_mode<synchronous>, transform_indices = @transform_8, window_bounds = array<i64: 1, 1>}, {transform_indices = @transform_9, window_bounds = array<i64: 2048, 1>}]} {
    %get3A = arith.constant 0 : index
    %get3A_0 = arith.constant 0 : index
    %get3A_1 = vector.load %arg1[%get3A, %get3A_0] : memref<2048x128xf32, #tpu.memory_space<vmem>>, vector<2048x128xf32>
    %get3A_2 = arith.constant 0 : index
    %get3A_3 = arith.constant 0 : index
    %get3A_4 = vector.load %arg2[%get3A_2, %get3A_3] : memref<2048x128xf32, #tpu.memory_space<vmem>>, vector<2048x128xf32>
    %add3A = arith.addf %get3A_1, %get3A_4 : vector<2048x128xf32>
    %get3A_5 = arith.constant 0 : index
    %get3A_6 = arith.constant 0 : index
    %get3A_7 = vector.load %arg5[%get3A_5, %get3A_6] : memref<1x128xf32, #tpu.memory_space<vmem>>, vector<1x128xf32>
    %add3A_8 = vector.broadcast %get3A_7 : vector<1x128xf32> to vector<2048x128xf32>
    %add3A_9 = arith.addf %add3A, %add3A_8 : vector<2048x128xf32>
    %get3A_10 = arith.constant 0 : index
    %get3A_11 = arith.constant 0 : index
    %get3A_12 = vector.load %arg3[%get3A_10, %get3A_11] : memref<2048x56xf32, #tpu.memory_space<vmem>>, vector<2048x56xf32>
    %get3A_13 = arith.constant 0 : index
    %get3A_14 = arith.constant 0 : index
    %get3A_15 = vector.load %arg4[%get3A_13, %get3A_14] : memref<56x128xf32, #tpu.memory_space<vmem>>, vector<56x128xf32>
    %dot_general3A = arith.constant dense<0.000000e+00> : vector<2048x128xf32>
    %dot_general3A_16 = tpu.matmul %get3A_12, %get3A_15, %dot_general3A {dimension_numbers = #tpu.dot_dimension_numbers<[1], [0], [0], [1], [0, 0, 1, 1], [], []>, transpose_lhs_hint = false} : vector<2048x56xf32>, vector<56x128xf32>, vector<2048x128xf32> -> vector<2048x128xf32>
    %add3A_17 = arith.addf %add3A_9, %dot_general3A_16 : vector<2048x128xf32>
    %max3A = arith.constant 0.000000e+00 : f32
    %max3A_18 = vector.broadcast %max3A : f32 to vector<2048x128xf32>
    %max3A_19 = arith.maximumf %add3A_17, %max3A_18 : vector<2048x128xf32>
    %get3A_20 = arith.constant 0 : index
    %get3A_21 = arith.constant 0 : index
    %get3A_22 = vector.load %arg6[%get3A_20, %get3A_21] : memref<128x32xf32, #tpu.memory_space<vmem>>, vector<128x32xf32>
    %dot_general3A_23 = arith.constant dense<0.000000e+00> : vector<2048x32xf32>
    %dot_general3A_24 = tpu.matmul %max3A_19, %get3A_22, %dot_general3A_23 {dimension_numbers = #tpu.dot_dimension_numbers<[1], [0], [0], [1], [0, 0, 1, 1], [], []>, transpose_lhs_hint = false} : vector<2048x128xf32>, vector<128x32xf32>, vector<2048x32xf32> -> vector<2048x32xf32>
    %get3A_25 = arith.constant 0 : index
    %get3A_26 = arith.constant 0 : index
    %get3A_27 = vector.load %arg7[%get3A_25, %get3A_26] : memref<1x32xf32, #tpu.memory_space<vmem>>, vector<1x32xf32>
    %add3A_28 = vector.broadcast %get3A_27 : vector<1x32xf32> to vector<2048x32xf32>
    %add3A_29 = arith.addf %dot_general3A_24, %add3A_28 : vector<2048x32xf32>
    %max3A_30 = arith.constant 0.000000e+00 : f32
    %max3A_31 = vector.broadcast %max3A_30 : f32 to vector<2048x32xf32>
    %max3A_32 = arith.maximumf %add3A_29, %max3A_31 : vector<2048x32xf32>
    %get3A_33 = arith.constant 0 : index
    %get3A_34 = arith.constant 0 : index
    %get3A_35 = vector.load %arg8[%get3A_33, %get3A_34] : memref<32x1xf32, #tpu.memory_space<vmem>>, vector<32x1xf32>
    %dot_general3A_36 = arith.constant dense<0.000000e+00> : vector<2048x1xf32>
    %dot_general3A_37 = tpu.matmul %max3A_32, %get3A_35, %dot_general3A_36 {dimension_numbers = #tpu.dot_dimension_numbers<[1], [0], [0], [1], [0, 0, 1, 1], [], []>, transpose_lhs_hint = false} : vector<2048x32xf32>, vector<32x1xf32>, vector<2048x1xf32> -> vector<2048x1xf32>
    %get3A_38 = arith.constant 0 : index
    %get3A_39 = arith.constant 0 : index
    %get3A_40 = vector.load %arg9[%get3A_38, %get3A_39] : memref<1x1xf32, #tpu.memory_space<vmem>>, vector<1x1xf32>
    %add3A_41 = vector.broadcast %get3A_40 : vector<1x1xf32> to vector<2048x1xf32>
    %add3A_42 = arith.addf %dot_general3A_37, %add3A_41 : vector<2048x1xf32>
    %logistic3A = arith.negf %add3A_42 : vector<2048x1xf32>
    %logistic3A_43 = math.exp %logistic3A : vector<2048x1xf32>
    %logistic3A_44 = arith.constant 1.000000e+00 : f32
    %logistic3A_45 = vector.broadcast %logistic3A_44 : f32 to vector<2048x1xf32>
    %logistic3A_46 = arith.addf %logistic3A_45, %logistic3A_43 : vector<2048x1xf32>
    %logistic3A_47 = arith.divf %logistic3A_45, %logistic3A_46 : vector<2048x1xf32>
    %swap3A = arith.constant 0 : index
    %swap3A_48 = arith.constant 0 : index
    %swap3A_49 = vector.load %arg10[%swap3A, %swap3A_48] : memref<2048x1xf32, #tpu.memory_space<vmem>>, vector<2048x1xf32>
    tpu.vector_store %arg10[%swap3A, %swap3A_48], %logistic3A_47 {strides = array<i32>} : memref<2048x1xf32, #tpu.memory_space<vmem>>, vector<2048x1xf32>,
    return
  }
  func.func @transform_0(%arg0: i32) -> (i32, i32) {
    %c0_i32 = arith.constant 0 : i32
    %c0_i32_0 = arith.constant 0 : i32
    return %arg0, %c0_i32 : i32, i32
  }
  func.func @transform_1(%arg0: i32) -> (i32, i32) {
    %c0_i32 = arith.constant 0 : i32
    %c0_i32_0 = arith.constant 0 : i32
    return %arg0, %c0_i32 : i32, i32
  }
  func.func @transform_2(%arg0: i32) -> (i32, i32) {
    %c0_i32 = arith.constant 0 : i32
    %c0_i32_0 = arith.constant 0 : i32
    return %arg0, %c0_i32 : i32, i32
  }
  func.func @transform_3(%arg0: i32) -> (i32, i32) {
    %c0_i32 = arith.constant 0 : i32
    %c0_i32_0 = arith.constant 0 : i32
    %c0_i32_1 = arith.constant 0 : i32
    return %c0_i32, %c0_i32_0 : i32, i32
  }
  func.func @transform_4(%arg0: i32) -> (i32, i32) {
    %c0_i32 = arith.constant 0 : i32
    %c0_i32_0 = arith.constant 0 : i32
    %c0_i32_1 = arith.constant 0 : i32
    return %c0_i32, %c0_i32_0 : i32, i32
  }
  func.func @transform_5(%arg0: i32) -> (i32, i32) {
    %c0_i32 = arith.constant 0 : i32
    %c0_i32_0 = arith.constant 0 : i32
    %c0_i32_1 = arith.constant 0 : i32
    return %c0_i32, %c0_i32_0 : i32, i32
  }
  func.func @transform_6(%arg0: i32) -> (i32, i32) {
    %c0_i32 = arith.constant 0 : i32
    %c0_i32_0 = arith.constant 0 : i32
    %c0_i32_1 = arith.constant 0 : i32
    return %c0_i32, %c0_i32_0 : i32, i32
  }
  func.func @transform_7(%arg0: i32) -> (i32, i32) {
    %c0_i32 = arith.constant 0 : i32
    %c0_i32_0 = arith.constant 0 : i32
    %c0_i32_1 = arith.constant 0 : i32
    return %c0_i32, %c0_i32_0 : i32, i32
  }
  func.func @transform_8(%arg0: i32) -> (i32, i32) {
    %c0_i32 = arith.constant 0 : i32
    %c0_i32_0 = arith.constant 0 : i32
    %c0_i32_1 = arith.constant 0 : i32
    return %c0_i32, %c0_i32_0 : i32, i32
  }
  func.func @transform_9(%arg0: i32) -> (i32, i32) {
    %c0_i32 = arith.constant 0 : i32
    %c0_i32_0 = arith.constant 0 : i32
    return %arg0, %c0_i32 : i32, i32
  }
}

</mosaic_0001>

<sc_bundles>
// kernel: kernel.6.cloned.1.call-start
scs
__scs_entry_jumppad:
0x0: {  	(pc) =	sbr.rel $0x88, $3  }
0x1: {  	(tag) =	ssettag $0x0;
	lr =	simm.s32 $0x1  }
0x2: {  	[smem:$0x3F98] =	sst lr;
	_ =	strace $0xD0000000  }
0x3: {  	_ = 	snop  }
0x4: {  	_ = 	snop  }
0x5: {  	_ = 	snop  }
0x6: {  	_ = 	snop  }
0x7: {  	_ = 	snop  }
__scs_overlays_trampoline_lowered:
0x8: {  	[smem:$0x3FA7] =	sst s0  }
0x9: {  	[smem:$0x3FA8] =	sst s1  }
0xa: {  	[smem:$0x3FA9] =	sst s2  }
0xb: {  	[smem:$0x3FAA] =	sst s3  }
0xc: {  	[smem:$0x3FAB] =	sst s4  }
0xd: {  	[smem:$0x3FAC] =	sst s5  }
0xe: {  	[smem:$0x3FAD] =	sst s6  }
0xf: {  	[smem:$0x3FAE] =	sst s7  }
0x10: {  	[smem:$0x3FAF] =	sst s8  }
0x11: {  	[smem:$0x3FB0] =	sst s9;
	s0 =	simm.s32 @!p0 $0x0  }
0x12: {  	s1 =	sld [smem:$0x3F96];
	s0 =	simm.s32 @p0 $0x1  }
0x13: {  	[smem:$0x3FB1] =	sst s0;
	s0 =	simm.s32 @!p1 $0x0  }
0x14: {  	s2 =	sld [smem:$0x3F95];
	s0 =	simm.s32 @p1 $0x1  }
0x15: {  	[smem:$0x3FB2] =	sst s0;
	s0 =	simm.s32 @!p2 $0x0  }
0x16: {  	s3 =	sld [smem:$0x3FDB];
	s0 =	simm.s32 @p2 $0x1  }
0x17: {  	s4 =	simm.s32 $0x1BF5;
	[smem:$0x3FB4] =	sst s0  }
0x18: {  	s0 =	sld [smem:$0x3F97];
	_ =	swait.ge [sflag:s4], $0x0  }
0x19: {  	s7 =	sld [smem:$0x3F98]  }
0x1a: {  	s8 =	sadd.s32 $0xFFFFE003, lr  }
0x1b: {  	s9 =	sadd.s32 $0xFFFFFEF7, lr;
	s5 =	simm.s32 $0xFFFFFFFF;
	p2 =	slt.u32 s8, $0xFFFFF086  }
0x1c: {  	p1 =	slt.u32 s9, $0xF7A;
	s5 =	simm.s32 @!p2 $0x0  }
0x1d: {  	s5 =	simm.s32 @p1 $0x1;
	p0 =	seq.s32 s7, s2  }
0x1e: {  	s7 =	smul.u32 @!p0 $0xF7A, s2;
	p2 =	seq.s32 @!p0 s5, $0x0  }
0x1f: {  	s9 =	smul.u32 $0xF7A, s1;
	s8 =	simm.s32 @!p0 $0x1BF5;
	p2 =	por !p2, p0  }
0x20: {  	[sflag:s8] =	ssyncset.s32 @!p0 $0xFFFFF086;
	s6 =	sadd.s32 @!p0 s3, s7;
	s7 =	simm.s32 @!p0 $0x108  }
0x21: {  	s3 =	sadd.s32 s3, s9;
	s6 =	sadd.s32 @!p0 $0x88, s6;
	s7 =	simm.s32 @p2 $0x1082  }
0x22: {  	[simem:s7], [sflag:s8] =	dma.local @!p0 [hbm:s6], $0xF7A  }
0x23: {  	s9 =	sor.u32 $0xD0000000, s2;
	s6 =	simm.s32 $0x108;
	_ =	swait.ge @!p0 [sflag:s8], $0x0  }
0x24: {  	s3 =	sadd.s32 $0x88, s3;
	s6 =	simm.s32 @!p1 $0x1082;
	[sflag:s4] =	ssyncset.s32 $0xFFFFF086  }
0x25: {  	[simem:s6], [sflag:s4] =	dma.local [hbm:s3], $0xF7A  }
0x26: {  	[smem:$0x3F98] =	sst s1;
	(tag) =	ssettag s2;
	_ =	strace s9  }
0x27: {  	s1 =	sld [smem:$0x3FA8]  }
0x28: {  	s2 =	sld [smem:$0x3FA9]  }
0x29: {  	s4 =	sld [smem:$0x3FAB]  }
0x2a: {  	p0 =	seq.s32 s5, $0x0;
	s5 =	sld [smem:$0x3FAC]  }
0x2b: {  	s6 =	sld [smem:$0x3FAD]  }
0x2c: {  	s7 =	sld [smem:$0x3FAE]  }
0x2d: {  	s3 =	simm.s32 $0x108;
	s8 =	sld [smem:$0x3FAF]  }
0x2e: {  	s3 =	simm.s32 @!p0 $0x1082;
	s9 =	sld [smem:$0x3FB0]  }
0x2f: {  	lr =	sadd.s32 s0, s3;
	s0 =	sld [smem:$0x3FA7]  }
0x30: {  	s3 =	sld [smem:$0x3FAA]  }
0x31: {  	[smem:$0x3FB3] =	sst s10  }
0x32: {  	s10 =	sld [smem:$0x3FB1];
	_ =	sdelay $0x3  }
0x33: {  	p0 =	seq.s32 s10, $0x1;
	s10 =	sld [smem:$0x3FB3];
	_ =	sdelay $0x3  }
0x34: {  	[smem:$0x3FB3] =	sst s10  }
0x35: {  	s10 =	sld [smem:$0x3FB2];
	_ =	sdelay $0x3  }
0x36: {  	p1 =	seq.s32 s10, $0x1;
	s10 =	sld [smem:$0x3FB3];
	_ =	sdelay $0x3  }
0x37: {  	[smem:$0x3FB3] =	sst s10  }
0x38: {  	s10 =	sld [smem:$0x3FB4]  }
0x39: {  	_ = 	snop;
	(pc) =	sbr.ind lr, $3  }
0x3a: {  	_ = 	snop  }
0x3b: {  	_ = 	snop  }
0x3c: {  	p2 =	seq.s32 s10, $0x1;
	s10 =	sld [smem:$0x3FB3]  }
0x3d: {  	_ =	shalt  }
0x3e: {  	_ =	shalt  }
0x3f: {  	_ =	shalt  }
0x40: {  	_ =	shalt  }
0x41: {  	_ =	shalt  }
0x42: {  	_ =	shalt  }
0x43: {  	_ =	shalt  }
0x44: {  	_ =	shalt  }
0x45: {  	_ =	shalt  }
0x46: {  	_ =	shalt  }
0x47: {  	_ =	shalt  }
0x48: {  	_ =	shalt  }
0x49: {  	_ =	shalt  }
0x4a: {  	_ =	shalt  }
0x4b: {  	_ =	shalt  }
0x4c: {  	_ =	shalt  }
0x4d: {  	_ =	shalt  }
0x4e: {  	_ =	shalt  }
0x4f: {  	_ =	shalt  }
0x50: {  	_ =	shalt  }
0x51: {  	_ =	shalt  }
0x52: {  	_ =	shalt  }
0x53: {  	_ =	shalt  }
0x54: {  	_ =	shalt  }
0x55: {  	_ =	shalt  }
0x56: {  	_ =	shalt  }
0x57: {  	_ =	shalt  }
0x58: {  	_ =	shalt  }
0x59: {  	_ =	shalt  }
0x5a: {  	_ =	shalt  }
0x5b: {  	_ =	shalt  }
0x5c: {  	_ =	shalt  }
0x5d: {  	_ =	shalt  }
0x5e: {  	_ =	shalt  }
0x5f: {  	_ =	shalt  }
0x60: {  	_ =	shalt  }
0x61: {  	_ =	shalt  }
0x62: {  	_ =	shalt  }
0x63: {  	_ =	shalt  }
0x64: {  	_ =	shalt  }
0x65: {  	_ =	shalt  }
0x66: {  	_ =	shalt  }
0x67: {  	_ =	shalt  }
0x68: {  	_ =	shalt  }
0x69: {  	_ =	shalt  }
0x6a: {  	_ =	shalt  }
0x6b: {  	_ =	shalt  }
0x6c: {  	_ =	shalt  }
0x6d: {  	_ =	shalt  }
0x6e: {  	_ =	shalt  }
0x6f: {  	_ =	shalt  }
0x70: {  	_ =	shalt  }
0x71: {  	_ =	shalt  }
0x72: {  	_ =	shalt  }
0x73: {  	_ =	shalt  }
0x74: {  	_ =	shalt  }
0x75: {  	_ =	shalt  }
0x76: {  	_ =	shalt  }
0x77: {  	_ =	shalt  }
0x78: {  	_ =	shalt  }
0x79: {  	_ =	shalt  }
0x7a: {  	_ =	shalt  }
0x7b: {  	_ =	shalt  }
0x7c: {  	_ =	shalt  }
0x7d: {  	_ =	shalt  }
0x7e: {  	_ =	shalt  }
0x7f: {  	_ =	shalt  }
0x80: {  	_ =	shalt  }
0x81: {  	_ =	shalt  }
0x82: {  	_ =	shalt  }
0x83: {  	_ =	shalt  }
0x84: {  	_ =	shalt  }
0x85: {  	_ =	shalt  }
0x86: {  	_ =	shalt  }
0x87: {  	_ =	shalt  }
.Lfunc_end0:
.L_simem_size_0:
called_computation_lowered:
.L_overlay_start_0:
0x88: {  	s2 =	sld [smem:$0x3FD9]  }
0x89: {  	s3 =	sld [smem:$0x3FFE];
	_ =	sdelay $0x1  }
0x8a: {  	s1 =	srdreg.scid  }
0x8b: {  	s0 =	sand.u32 $0x1, s1  }
0x8c: {  	s17 =	sshll.u32 s0, $0xA;
	s2 =	sadd.s32 s3, s2  }
0x8d: {  	s2 =	sadd.s32 s2, s17  }
0x8e: {  	[smem:$0x3FBF] =	sst s2  }
0x8f: {  	_ = 	snop  }
0x90: {  	s2 =	sld [smem:$0x3FD0];
	(tm) =	ssettm $0x1  }
0x91: {  	s18 =	sld [smem:$0x3FFB];
	_ =	sdelay $0x3  }
0x92: {  	_ =	strace s18  }
0x93: {  	s3 =	sld [smem:$0x3FFC];
	_ =	sdelay $0x3  }
0x94: {  	_ =	strace s3  }
0x95: {  	s3 =	sld [smem:$0x3FFD];
	_ =	sdelay $0x3  }
0x96: {  	_ =	strace s3  }
0x97: {  	_ =	strace $0x8FFFFFFF  }
0x98: {  	s19 =	sld [smem:$0x3FDB];
	_ =	sdelay $0x1  }
0x99: {  	s4 =	simm.s32 $_scs_section_size  }
0x9a: {  	s5 =	simm.s32 $_size__tile_overlayer_lowered;
	s6 =	simm.s32 $_tile_overlayer_lowered  }
0x9b: {  	s22 =	simm.s32 $0x1BFF;
	s21 =	sshll.u32 s6, $0x1;
	s3 =	sadd.s32 s4, s19  }
0x9c: {  	s7 =	simm.s32 $0x0;
	s20 =	sshll.u32 s5, $0x1;
	s5 =	sadd.s32 s21, s3  }
0x9d: {  	[timem:s7], [sflag:s22] =	dma.local [hbm:s5], s20  }
0x9e: {  	_ =	swait.ge [sflag:s22], s20  }
0x9f: {  	s4 =	ssub.s32 $0x0, s20;
	[sflag:s22] =	ssyncset.done $0x0  }
0xa0: {  	[sflag:s22] =	ssyncadd.s32 s4;
	_ =	sdelay $0x1  }
0xa1: {  	s23 =	simm.s32 $0x1B8B  }
0xa2: {  	_ =	swait.ge [sflag:s23], $0x1  }
0xa3: {  	[sflag:s23] =	ssyncset.done $0x0  }
0xa4: {  	s25 =	simm.s32 $0x1B8E;
	s24 =	sld [smem:$0x3FFE];
	[sflag:s23] =	ssyncadd.s32 $0xFFFFFFFF  }
0xa5: {  	s26 =	simm.s32 $execute0_lowered;
	[smem:$0x3FD2] =	sst s25  }
0xa6: {  	s5 =	sshll.u32 s26, $0x1;
	_ =	strace $0x80000046;
	[dreg:$0x1] =	wrdreg $0xFFFFFFFF  }
0xa7: {  	s28 =	simm.s32 $_size_execute0_lowered;
	s3 =	sadd.s32 s3, s5;
	[dreg:$0x0] =	wrdreg $0x0  }
0xa8: {  	s5 =	sshll.u32 s28, $0x1;
	[dreg:$0x2] =	wrdreg s3  }
0xa9: {  	[dreg:$0x3] =	wrdreg s5  }
0xaa: {  	[dreg:$0x4] =	wrdreg $0xC0  }
0xab: {  	_ =	task [dreg:s7], $0x5FFFF  }
0xac: {  	[dreg:$0x1] =	wrdreg $0xFFFFFFFF  }
0xad: {  	[dreg:$0x0] =	wrdreg $0x60  }
0xae: {  	[dreg:$0x2] =	wrdreg s24  }
0xaf: {  	[dreg:$0x3] =	wrdreg s2  }
0xb0: {  	[dreg:$0x4] =	wrdreg $0x9  }
0xb1: {  	_ =	task.clear_ibuf [dreg:s7], $0x5FFFF;
	_ =	strace $0x90000046  }
0xb2: {  	s29 =	simm.s32 $0x9;
	_ =	strace $0x80000048  }
0xb3: {  	_ =	swait.ge [sflag:s29], $0x1  }
0xb4: {  	[sflag:s29] =	ssyncadd.s32 $0xFFFFFFFF  }
0xb5: {  	_ =	strace $0x90000048  }
0xb6: {  	_ =	sfence  }
0xb7: {  	s30 =	sld [smem:$0x0];
	_ =	sdelay $0x2  }
0xb8: {  	s31 =	sshll.u32 s1, $0xD;
	s1 =	sshrl.u32 s1, $0x2  }
0xb9: {  	s3 =	sand.u32 $0x4000, s31;
	s1 =	sadd.s32 s1, s30  }
0xba: {  	s0 =	sor.u32 s3, s0;
	s1 =	sshll.u32 s1, $0x11  }
0xbb: {  	s0 =	sor.u32 s1, s0  }
0xbc: {  	s0 =	sadd.s32 $0x8F2B, s0  }
0xbd: {  	[sflag:s0] =	ssyncadd.remote.s32 $0x1  }
0xbe: {  	_ =	sfence.sel $0xFFFF  }
0xbf: {  	[dreg:$0x0] =	wrdreg $0xFFFFFFFF;
	(pc) =	sbr.abs _section_cstart, $3  }
0xc0: {  	[dreg:$0x1] =	wrdreg $0xFFFFFFFF  }
0xc1: {  	_ =	task.clear_ibuf [dreg:s7], $0x2FFFF;
	_ =	strace $0x9FFFFFFF  }
0xc2: {  	(tm) =	ssettm $0x7FFFFFFF  }
0xc3: {  	_ =	shalt  }
tec
execute0_lowered:
.L_overlay_start_1:
0x0: {  	(tag) =	ssettag $0x1  }
0x1: {  	s1 =	srdreg.scid  }
0x2: {  	s17 =	rddreg [dreg:$0x0];
	s0 =	stileid.u32;
	s21 =	sand.u32 $0x1, s1  }
0x3: {  	s5 =	rddreg [dreg:$0x1];
	s3 =	sshll.u32 s0, $0x7;
	s4 =	sshll.u32 s21, $0x6  }
0x4: {  	s2 =	simm.s32 $0x0;
	s1 =	rddreg [dreg:$0x2];
	s6 =	sor.u32 s4, s3  }
0x5: {  	[smem:$0x7FF] =	sst s2;
	s3 =	sadd.s32 s6, s17  }
0x6: {  	_ =	strace $0x80000047;
	s4 =	sadd.s32 $0x121000, s3;
	s3 =	simm.s32 $0x2  }
0x7: {  	[tilespmem:s2], [sflag:$0x2] =	stream.linear.gather [hbm4b:s4+s2], $0x200, $0x38;
	[tilespmem:$0x10400] =	vst v63  }
0x8: {  	_ =	swait.ge [sflag:s3], $0x200  }
0x9: {  	[sflag:s3] =	ssyncset.done $0x0  }
0xa: {  	s5 =	sadd.s32 s5, s6;
	s6 =	simm.s32 $0x200;
	[sflag:s3] =	ssyncadd.s32 $0xFFFFFE00  }
0xb: {  	[tilespmem:s6], [sflag:$0x2] =	stream.linear.gather [hbm4b:s5+s2], $0x200, $0x38;
	[tilespmem:$0x10400] =	vst v63  }
0xc: {  	_ =	swait.ge [sflag:s3], $0x200  }
0xd: {  	s8 =	simm.s32 $0x80;
	[sflag:s3] =	ssyncset.done $0x0  }
0xe: {  	s9 =	simm.s32 $0x400;
	s7 =	sadd.s32 $0x121800, s17;
	[sflag:s3] =	ssyncadd.s32 $0xFFFFFE00  }
0xf: {  	[tilespmem:s9], [sflag:$0x1] =	stream.indirect.gather [hbm4b:s7+s8], $0x80, s2, s8, $0xb8;
	[tilespmem:$0x10400] =	vst v63  }
0x10: {  	s10 =	simm.s32 $0x4400  }
0x11: {  	[tilespmem:s10], [sflag:$0x1] =	stream.indirect.gather [hbm4b:s7+s8], $0x80, s8, s8, $0xb8;
	[tilespmem:$0x10400] =	vst v63  }
0x12: {  	s11 =	simm.s32 $0x100;
	s12 =	simm.s32 $0x8400  }
0x13: {  	[tilespmem:s12], [sflag:$0x1] =	stream.indirect.gather [hbm4b:s7+s8], $0x80, s11, s8, $0xb8;
	[tilespmem:$0x10400] =	vst v63  }
0x14: {  	s13 =	simm.s32 $0x180;
	s14 =	simm.s32 $0xC400;
	s15 =	simm.s32 $0x1  }
0x15: {  	[tilespmem:s14], [sflag:$0x1] =	stream.indirect.gather [hbm4b:s7+s8], $0x80, s13, s8, $0xb8;
	[tilespmem:$0x10400] =	vst v63  }
0x16: {  	_ =	swait.ge [sflag:s15], $0x4000  }
0x17: {  	[sflag:s15] =	ssyncset.done $0x0  }
0x18: {  	[sflag:s15] =	ssyncadd.s32 $0xFFFFC000  }
0x19: {  	_ =	swait.ge [sflag:s15], $0x4000  }
0x1a: {  	[sflag:s15] =	ssyncset.done $0x0  }
0x1b: {  	[sflag:s15] =	ssyncadd.s32 $0xFFFFC000  }
0x1c: {  	_ =	swait.ge [sflag:s15], $0x4000  }
0x1d: {  	[sflag:s15] =	ssyncset.done $0x0  }
0x1e: {  	s16 =	sshll.u32 s0, $0xE;
	s18 =	sshll.u32 s21, $0xD;
	[sflag:s15] =	ssyncadd.s32 $0xFFFFC000  }
0x1f: {  	s16 =	sor.u32 s18, s16;
	_ =	swait.ge [sflag:s15], $0x4000  }
0x20: {  	s22 =	sadd.s32 s16, s17;
	[sflag:s15] =	ssyncset.done $0x0  }
0x21: {  	s16 =	sadd.s32 $0x31E00, s22;
	[sflag:s15] =	ssyncadd.s32 $0xFFFFC000  }
0x22: {  	[hbm4b:s16+s2] =	stream.linear.scatter [tilespmem:s9], [sflag:$0x2], $0x10000, $0x38;
	[tilespmem:$0x10400] =	vst v63  }
0x23: {  	_ =	swait.ge [sflag:s3], $0x10000  }
0x24: {  	[sflag:s3] =	ssyncset.done $0x0  }
0x25: {  	s17 =	sadd.s32 $0x1C00, s17;
	[sflag:s3] =	ssyncadd.s32 $0xFFFF0000  }
0x26: {  	[tilespmem:s9], [sflag:$0x1] =	stream.indirect.gather [hbm4b:s17+s8], $0x80, s6, s8, $0xb8;
	[tilespmem:$0x10400] =	vst v63  }
0x27: {  	s18 =	simm.s32 $0x280  }
0x28: {  	[tilespmem:s10], [sflag:$0x1] =	stream.indirect.gather [hbm4b:s17+s8], $0x80, s18, s8, $0xb8;
	[tilespmem:$0x10400] =	vst v63  }
0x29: {  	s19 =	simm.s32 $0x300  }
0x2a: {  	[tilespmem:s12], [sflag:$0x1] =	stream.indirect.gather [hbm4b:s17+s8], $0x80, s19, s8, $0xb8;
	[tilespmem:$0x10400] =	vst v63  }
0x2b: {  	s20 =	simm.s32 $0x380  }
0x2c: {  	[tilespmem:s14], [sflag:$0x1] =	stream.indirect.gather [hbm4b:s17+s8], $0x80, s20, s8, $0xb8;
	[tilespmem:$0x10400] =	vst v63  }
0x2d: {  	_ =	swait.ge [sflag:s15], $0x4000  }
0x2e: {  	[sflag:s15] =	ssyncset.done $0x0  }
0x2f: {  	[sflag:s15] =	ssyncadd.s32 $0xFFFFC000  }
0x30: {  	_ =	swait.ge [sflag:s15], $0x4000  }
0x31: {  	[sflag:s15] =	ssyncset.done $0x0  }
0x32: {  	s21 =	ssub.s32 $0x2, s21;
	[sflag:s15] =	ssyncadd.s32 $0xFFFFC000  }
0x33: {  	s23 =	sshrl.u32 s21, $0x1;
	_ =	swait.ge [sflag:s15], $0x4000  }
0x34: {  	s23 =	ssub.s32 s21, s23;
	[sflag:s15] =	ssyncset.done $0x0  }
0x35: {  	s31 =	smax.u32 s23, $0x1;
	[sflag:s15] =	ssyncadd.s32 $0xFFFFC000  }
0x36: {  	p0 =	sne.s32 s31, $0x1;
	_ =	swait.ge [sflag:s15], $0x4000  }
.Ltmp0:
0x37: {  	[sflag:s15] =	ssyncset.done $0x0;
	(pc) =	sbr.rel @!p0 .LBB2_2-.Ltmp0, $4  }
0x38: {  	s21 =	sadd.s32 $0x71E00, s22;
	[sflag:s15] =	ssyncadd.s32 $0xFFFFC000  }
0x39: {  	[hbm4b:s21+s2] =	stream.linear.scatter [tilespmem:s9], [sflag:$0x2], $0x10000, $0x38;
	[tilespmem:$0x10400] =	vst v63  }
0x3a: {  	_ =	swait.ge [sflag:s3], $0x10000  }
0x3b: {  	s22 =	sadd.s32 $0xFFFFFFFF, s31;
	[sflag:s3] =	ssyncset.done $0x0  }
.LBB2_1:
0x3c: {  	p0 =	sne.s32 s22, $0x1;
	s22 =	sadd.s32 $0xFFFFFFFF, s22;
	[sflag:s3] =	ssyncadd.s32 $0xFFFF0000  }
0x3d: {  	[tilespmem:s2], [sflag:$0x2] =	stream.linear.gather [hbm4b:s4+s2], $0x200, $0x38;
	[tilespmem:$0x10400] =	vst v63  }
0x3e: {  	_ =	swait.ge [sflag:s3], $0x200  }
0x3f: {  	[sflag:s3] =	ssyncset.done $0x0  }
0x40: {  	[sflag:s3] =	ssyncadd.s32 $0xFFFFFE00  }
0x41: {  	[tilespmem:s6], [sflag:$0x2] =	stream.linear.gather [hbm4b:s5+s2], $0x200, $0x38;
	[tilespmem:$0x10400] =	vst v63  }
0x42: {  	_ =	swait.ge [sflag:s3], $0x200  }
0x43: {  	[sflag:s3] =	ssyncset.done $0x0  }
0x44: {  	[sflag:s3] =	ssyncadd.s32 $0xFFFFFE00  }
0x45: {  	[tilespmem:s9], [sflag:$0x1] =	stream.indirect.gather [hbm4b:s7+s8], $0x80, s2, s8, $0xb8;
	[tilespmem:$0x10400] =	vst v63  }
0x46: {  	_ = 	snop  }
0x47: {  	[tilespmem:s10], [sflag:$0x1] =	stream.indirect.gather [hbm4b:s7+s8], $0x80, s8, s8, $0xb8;
	[tilespmem:$0x10400] =	vst v63  }
0x48: {  	_ = 	snop  }
0x49: {  	[tilespmem:s12], [sflag:$0x1] =	stream.indirect.gather [hbm4b:s7+s8], $0x80, s11, s8, $0xb8;
	[tilespmem:$0x10400] =	vst v63  }
0x4a: {  	_ = 	snop  }
0x4b: {  	[tilespmem:s14], [sflag:$0x1] =	stream.indirect.gather [hbm4b:s7+s8], $0x80, s13, s8, $0xb8;
	[tilespmem:$0x10400] =	vst v63  }
0x4c: {  	_ =	swait.ge [sflag:s15], $0x4000  }
0x4d: {  	[sflag:s15] =	ssyncset.done $0x0  }
0x4e: {  	[sflag:s15] =	ssyncadd.s32 $0xFFFFC000  }
0x4f: {  	_ =	swait.ge [sflag:s15], $0x4000  }
0x50: {  	[sflag:s15] =	ssyncset.done $0x0  }
0x51: {  	[sflag:s15] =	ssyncadd.s32 $0xFFFFC000  }
0x52: {  	_ =	swait.ge [sflag:s15], $0x4000  }
0x53: {  	[sflag:s15] =	ssyncset.done $0x0  }
0x54: {  	[sflag:s15] =	ssyncadd.s32 $0xFFFFC000  }
0x55: {  	_ =	swait.ge [sflag:s15], $0x4000  }
0x56: {  	[sflag:s15] =	ssyncset.done $0x0  }
0x57: {  	[sflag:s15] =	ssyncadd.s32 $0xFFFFC000  }
0x58: {  	[hbm4b:s16+s2] =	stream.linear.scatter [tilespmem:s9], [sflag:$0x2], $0x10000, $0x38;
	[tilespmem:$0x10400] =	vst v63  }
0x59: {  	_ =	swait.ge [sflag:s3], $0x10000  }
0x5a: {  	[sflag:s3] =	ssyncset.done $0x0  }
0x5b: {  	[sflag:s3] =	ssyncadd.s32 $0xFFFF0000  }
0x5c: {  	[tilespmem:s9], [sflag:$0x1] =	stream.indirect.gather [hbm4b:s17+s8], $0x80, s6, s8, $0xb8;
	[tilespmem:$0x10400] =	vst v63  }
0x5d: {  	_ = 	snop  }
0x5e: {  	[tilespmem:s10], [sflag:$0x1] =	stream.indirect.gather [hbm4b:s17+s8], $0x80, s18, s8, $0xb8;
	[tilespmem:$0x10400] =	vst v63  }
0x5f: {  	_ = 	snop  }
0x60: {  	[tilespmem:s12], [sflag:$0x1] =	stream.indirect.gather [hbm4b:s17+s8], $0x80, s19, s8, $0xb8;
	[tilespmem:$0x10400] =	vst v63  }
0x61: {  	_ = 	snop  }
0x62: {  	[tilespmem:s14], [sflag:$0x1] =	stream.indirect.gather [hbm4b:s17+s8], $0x80, s20, s8, $0xb8;
	[tilespmem:$0x10400] =	vst v63  }
0x63: {  	_ =	swait.ge [sflag:s15], $0x4000  }
0x64: {  	[sflag:s15] =	ssyncset.done $0x0  }
0x65: {  	[sflag:s15] =	ssyncadd.s32 $0xFFFFC000  }
0x66: {  	_ =	swait.ge [sflag:s15], $0x4000  }
0x67: {  	[sflag:s15] =	ssyncset.done $0x0  }
0x68: {  	[sflag:s15] =	ssyncadd.s32 $0xFFFFC000  }
0x69: {  	_ =	swait.ge [sflag:s15], $0x4000  }
0x6a: {  	[sflag:s15] =	ssyncset.done $0x0  }
0x6b: {  	[sflag:s15] =	ssyncadd.s32 $0xFFFFC000  }
0x6c: {  	_ =	swait.ge [sflag:s15], $0x4000  }
.Ltmp1:
0x6d: {  	[sflag:s15] =	ssyncset.done $0x0;
	(pc) =	sbr.rel @p0 .LBB2_1-.Ltmp1, $4  }
0x6e: {  	[sflag:s15] =	ssyncadd.s32 $0xFFFFC000  }
0x6f: {  	[hbm4b:s21+s2] =	stream.linear.scatter [tilespmem:s9], [sflag:$0x2], $0x10000, $0x38;
	[tilespmem:$0x10400] =	vst v63  }
0x70: {  	_ =	swait.ge [sflag:s3], $0x10000  }
0x71: {  	[sflag:s3] =	ssyncset.done $0x0  }
.LBB2_2:
0x72: {  	[sflag:s3] =	ssyncadd.s32 $0xFFFF0000  }
0x73: {  	_ =	sfence.sel $0x180000  }
0x74: {  	[bflag:$0x0] =	sbarrier.arrive $0xFFFF  }
0x75: {  	p0 =	sne.s32 s0, $0x0;
	_ =	strace $0x90000047  }
0x76: {  	s0 =	sadd.s32 @!p0 $0x100000, s1;
	[bflag:$0x2] =	sbarrier.arrive $0xFFFF  }
0x77: {  	[sflag:s0] =	ssyncadd.tile.s32 @!p0 $0x1;
	_ =	shalt  }
.Lfunc_end2:
_tile_overlayer_lowered:
.L_overlay_start_2:
0x78: {  	(tag) =	ssettag $0x2  }
0x79: {  	s0 =	rddreg [dreg:$0x0];
	s2 =	stileid.u32  }
0x7a: {  	s1 =	rddreg [dreg:$0x1];
	p0 =	sne.s32 s2, $0x0  }
0x7b: {  	s3 =	rddreg [dreg:$0x2];
	[bflag:$0x3] =	sbarrier.arrive $0xFFFF;
	s2 =	simm.s32 @!p0 $0x1C02  }
0x7c: {  	[timem:s3], [sflag:s2] =	dma.local @!p0 [hbm:s0], s1  }
0x7d: {  	s0 =	simm.s32 @!p0 $0x2  }
0x7e: {  	_ =	swait.ge @!p0 [sflag:s0], s1  }
0x7f: {  	s1 =	ssub.s32 @!p0 $0x0, s1;
	[sflag:s0] =	ssyncset.done @!p0 $0x0  }
0x80: {  	[sflag:s0] =	ssyncadd.s32 @!p0 s1  }
0x81: {  	[bflag:$0x3] =	sbarrier.arrive $0xFFFF  }
0x82: {  	_ =	shalt  }

</sc_bundles>
